<compile_context>
chip_gen: v7x
topology: tpu7x:2x2x1
jax: 0.10.2.dev20260603
libtpu: 0.0.44.dev20260713+nightly
codegen_flags: <defaults>
</compile_context>

<pallas_src>
import functools

import jax
import jax.numpy as jnp
from jax import lax
from jax.experimental import pallas as pl
from jax.experimental.pallas import tpu as pltpu
from jax.experimental.pallas import tpu_sc as plsc

_IDX_LANES = 128


def _make_gather(batch: int, seq: int, half: int):
    n_idx_rows = batch * seq // _IDX_LANES
    info = plsc.get_sparse_core_info()
    num_workers = info.num_cores * info.num_subcores
    assert n_idx_rows % num_workers == 0, (n_idx_rows, num_workers)
    rows_per_worker = n_idx_rows // num_workers
    num_cores = info.num_cores

    out_sds = jax.ShapeDtypeStruct((batch * seq, 1, half), jnp.float32)
    mesh = plsc.VectorSubcoreMesh(core_axis_name="c", subcore_axis_name="s")

    @functools.partial(
        pl.kernel,
        mesh=mesh,
        out_type=[out_sds, out_sds],
        scratch_types=[
            pltpu.VMEM((rows_per_worker, _IDX_LANES), jnp.int32),
            pltpu.VMEM((rows_per_worker, _IDX_LANES, half), jnp.float32),
            pltpu.VMEM((rows_per_worker, _IDX_LANES, half), jnp.float32),
            [pltpu.SemaphoreType.DMA] * (2 * rows_per_worker),
            pltpu.SemaphoreType.DMA,
        ],
        compiler_params=pltpu.CompilerParams(use_tc_tiling_on_sc=False),
    )
    def gather(cos_hbm, sin_hbm, idx_hbm, cos_out, sin_out,
               idx_v, cos_v, sin_v, gsems, ssem):
        wid = lax.axis_index("s") * num_cores + lax.axis_index("c")
        base = wid * rows_per_worker
        pltpu.sync_copy(idx_hbm.at[pl.ds(base, rows_per_worker)], idx_v)
        gathers = []
        for j in range(rows_per_worker):
            gathers.append(
                (pltpu.async_copy(cos_hbm.at[idx_v.at[j]], cos_v.at[j], gsems[2 * j]),
                 pltpu.async_copy(sin_hbm.at[idx_v.at[j]], sin_v.at[j], gsems[2 * j + 1])))
        stores = []
        for j, (g_cos, g_sin) in enumerate(gathers):
            p0 = (base + j) * _IDX_LANES
            g_cos.wait()
            stores.append(pltpu.async_copy(
                cos_v.at[j], cos_out.at[pl.ds(p0, _IDX_LANES), 0], ssem))
            g_sin.wait()
            stores.append(pltpu.async_copy(
                sin_v.at[j], sin_out.at[pl.ds(p0, _IDX_LANES), 0], ssem))
        for st in stores:
            st.wait()

    return gather


def kernel(x, position_ids, cached_cos, cached_sin):
    del x
    b, s = position_ids.shape
    max_pos, half = cached_cos.shape[2], cached_cos.shape[3]
    assert (b * s) % _IDX_LANES == 0, (b, s)
    idx = position_ids.reshape(b * s // _IDX_LANES, _IDX_LANES).astype(jnp.int32)
    cos_tab = cached_cos.reshape(max_pos, half)
    sin_tab = cached_sin.reshape(max_pos, half)
    cos_r, sin_r = _make_gather(b, s, half)(cos_tab, sin_tab, idx)
    return (cos_r.reshape(b, s, 1, half), sin_r.reshape(b, s, 1, half))

# --- scband reference (transcript-rebuilt; emitter-appended) ---
"""Pipeline reference for scband-optimized-rotary-embedding-13932873908575 (READ-ONLY COPY).

The authoritative reference and input builder live on the scoring server;
editing this copy changes nothing except your own understanding.
"""

import jax, jax.numpy as jnp
import numpy as np

DIM = 128
MAX_POS = 4096
BASE = 10000.0
B = 2
H = 16
S = 4096


def setup_inputs(seed: int = 0) -> dict:
    key = jax.random.key(seed)
    k1, k2 = jax.random.split(key)
    x = jax.random.normal(k1, (B, H, S, DIM), dtype=jnp.float32)
    position_ids = jax.random.randint(k2, (B, S), 0, MAX_POS, dtype=jnp.int32)
    # Buffers built exactly as in __init__ (strategy='cached')
    inv_freq = 1.0 / (BASE ** (jnp.arange(0, DIM, 2, dtype=jnp.float32) / DIM))
    t = jnp.arange(MAX_POS, dtype=jnp.float32)
    freqs = t[:, None] * inv_freq[None, :]  # [MAX_POS, DIM//2]
    cached_cos = jnp.cos(freqs)[None, None, :, :]  # [1,1,MAX_POS,DIM//2]
    cached_sin = jnp.sin(freqs)[None, None, :, :]
    return {"x": x, "position_ids": position_ids, "cached_cos": cached_cos, "cached_sin": cached_sin}


def reference(x, position_ids, cached_cos, cached_sin):
    # Faithful translation of the 'cached' branch of forward().
    Bn, Sn = position_ids.shape
    half = cached_cos.shape[-1]
    full_pos = cached_cos.shape[2]
    cos = jnp.broadcast_to(cached_cos, (Bn, 1, full_pos, half))
    sin = jnp.broadcast_to(cached_sin, (Bn, 1, full_pos, half))
    batch_indices = jnp.broadcast_to(jnp.arange(Bn)[:, None], (Bn, Sn))
    pos_indices = position_ids
    # Advanced indexing with a slice between index arrays -> [B, S, 1, half]
    cos = cos[batch_indices, :, pos_indices, :]
    sin = sin[batch_indices, :, pos_indices, :]
    return (cos, sin)

if __name__ == "__main__":
    import jax
    _d = setup_inputs()
    print(jax.jit(kernel)(*tuple(_d.values())))

</pallas_src>

<mosaic_0001>
#map = affine_map<(d0, d1) -> (0, 0)>
#map1 = affine_map<(d0, d1) -> (0, 0, 0)>
module attributes {stable_mosaic.version = 14 : i64} {
  func.func @gather(%arg0: i32, %arg1: i32, %arg2: memref<4096x64xf32, #tpu.memory_space<hbm>>, %arg3: memref<4096x64xf32, #tpu.memory_space<hbm>>, %arg4: memref<64x128xi32, #tpu.memory_space<hbm>>, %arg5: memref<8192x1x64xf32, #tpu.memory_space<hbm>>, %arg6: memref<8192x1x64xf32, #tpu.memory_space<hbm>>, %arg7: memref<2x128xi32, #tpu.memory_space<vmem>>, %arg8: memref<2x128x64xf32, #tpu.memory_space<vmem>>, %arg9: memref<2x128x64xf32, #tpu.memory_space<vmem>>, %arg10: memref<!tpu.dma_semaphore, #tpu.memory_space<semaphore_mem>>, %arg11: memref<!tpu.dma_semaphore, #tpu.memory_space<semaphore_mem>>, %arg12: memref<!tpu.dma_semaphore, #tpu.memory_space<semaphore_mem>>, %arg13: memref<!tpu.dma_semaphore, #tpu.memory_space<semaphore_mem>>, %arg14: memref<!tpu.dma_semaphore, #tpu.memory_space<semaphore_mem>>) attributes {dimension_semantics = [#tpu.dimension_semantics<core_parallel>, #tpu.dimension_semantics<subcore_parallel>], iteration_bounds = array<i64: 2, 16>, scalar_prefetch = 0 : i64, scratch_operands = 8 : i64, tpu.core_type = #tpu.core_type<sc_vector_subcore>, window_params = [{transform_indices = #map}, {transform_indices = #map}, {transform_indices = #map}, {transform_indices = #map1}, {transform_indices = #map1}]} {
    %mul3A = arith.constant 2 : i32
    %mul3A_0 = arith.muli %arg1, %mul3A : i32
    %add3A = arith.addi %mul3A_0, %arg0 : i32
    %mul3A_1 = arith.constant 2 : i32
    %mul3A_2 = arith.muli %add3A, %mul3A_1 : i32
    "tpu.region"() ({
      %run_scoped3A = tpu.sem_alloc : memref<!tpu.dma_semaphore, #tpu.memory_space<semaphore_mem>>
      %dma_start3A_233 = arith.constant 0 : i32
      %dma_start3A_234 = tpu.memref_slice %arg4[%mul3A_2, %dma_start3A_233] : memref<64x128xi32, #tpu.memory_space<hbm>> -> memref<2x128xi32, #tpu.memory_space<hbm>>
      %dma_start3A_235 = arith.constant 0 : i32
      %dma_start3A_236 = tpu.memref_slice %arg4[%mul3A_2, %dma_start3A_235] : memref<64x128xi32, #tpu.memory_space<hbm>> -> memref<2x128xi32, #tpu.memory_space<hbm>>
      tpu.enqueue_dma source(%dma_start3A_236 : memref<2x128xi32, #tpu.memory_space<hbm>>) target(%arg7 : memref<2x128xi32, #tpu.memory_space<vmem>>) target_semaphore(%run_scoped3A : memref<!tpu.dma_semaphore, #tpu.memory_space<semaphore_mem>>)
      %dma_wait3A_237 = arith.constant 0 : i32
      %dma_wait3A_238 = tpu.memref_slice %arg4[%mul3A_2, %dma_wait3A_237] : memref<64x128xi32, #tpu.memory_space<hbm>> -> memref<2x128xi32, #tpu.memory_space<hbm>>
      %dma_wait3A_239 = arith.constant 0 : i32
      %dma_wait3A_240 = tpu.memref_slice %arg4[%mul3A_2, %dma_wait3A_239] : memref<64x128xi32, #tpu.memory_space<hbm>> -> memref<2x128xi32, #tpu.memory_space<hbm>>
      tpu.wait_dma2 semaphore(%run_scoped3A : memref<!tpu.dma_semaphore, #tpu.memory_space<semaphore_mem>>) src(%dma_wait3A_240 : memref<2x128xi32, #tpu.memory_space<hbm>>) dst(%arg7 : memref<2x128xi32, #tpu.memory_space<vmem>>)
      tpu.yield
    }) : () -> ()
    %dma_start3A = arith.constant 0 : i32
    %dma_start3A_3 = arith.constant 0 : i32
    %dma_start3A_4 = arith.constant 0 : i32
    %dma_start3A_5 = arith.constant 0 : i32
    %dma_start3A_6 = tpu.memref_slice %arg8[%dma_start3A_3, %dma_start3A_4, %dma_start3A_5] : memref<2x128x64xf32, #tpu.memory_space<vmem>> -> memref<1x128x64xf32, #tpu.memory_space<vmem>>
    %dma_start3A_7 = tpu.memref_squeeze %dma_start3A_6 : memref<1x128x64xf32, #tpu.memory_space<vmem>> -> memref<128x64xf32, #tpu.memory_space<vmem>>
    %dma_start3A_8 = arith.constant 0 : i32
    %dma_start3A_9 = tpu.memref_slice %arg7[%dma_start3A, %dma_start3A_8] : memref<2x128xi32, #tpu.memory_space<vmem>> -> memref<1x128xi32, #tpu.memory_space<vmem>>
    %dma_start3A_10 = tpu.memref_squeeze %dma_start3A_9 : memref<1x128xi32, #tpu.memory_space<vmem>> -> memref<128xi32, #tpu.memory_space<vmem>>
    %dma_start3A_11 = arith.constant 0 : i32
    %dma_start3A_12 = arith.constant 0 : i32
    %dma_start3A_13 = tpu.memref_slice %arg2[%dma_start3A_11, %dma_start3A_12] : memref<4096x64xf32, #tpu.memory_space<hbm>> -> memref<4096x64xf32, #tpu.memory_space<hbm>>
    tpu.enqueue_indirect_dma source(%dma_start3A_13 : memref<4096x64xf32, #tpu.memory_space<hbm>>) target(%dma_start3A_7 : memref<128x64xf32, #tpu.memory_space<vmem>>) offsets(%dma_start3A_10 : memref<128xi32, #tpu.memory_space<vmem>>) semaphore(%arg10 : memref<!tpu.dma_semaphore, #tpu.memory_space<semaphore_mem>>)
    %dma_start3A_14 = arith.constant 0 : i32
    %dma_start3A_15 = arith.constant 0 : i32
    %dma_start3A_16 = arith.constant 0 : i32
    %dma_start3A_17 = arith.constant 0 : i32
    %dma_start3A_18 = tpu.memref_slice %arg9[%dma_start3A_15, %dma_start3A_16, %dma_start3A_17] : memref<2x128x64xf32, #tpu.memory_space<vmem>> -> memref<1x128x64xf32, #tpu.memory_space<vmem>>
    %dma_start3A_19 = tpu.memref_squeeze %dma_start3A_18 : memref<1x128x64xf32, #tpu.memory_space<vmem>> -> memref<128x64xf32, #tpu.memory_space<vmem>>
    %dma_start3A_20 = arith.constant 0 : i32
    %dma_start3A_21 = tpu.memref_slice %arg7[%dma_start3A_14, %dma_start3A_20] : memref<2x128xi32, #tpu.memory_space<vmem>> -> memref<1x128xi32, #tpu.memory_space<vmem>>
    %dma_start3A_22 = tpu.memref_squeeze %dma_start3A_21 : memref<1x128xi32, #tpu.memory_space<vmem>> -> memref<128xi32, #tpu.memory_space<vmem>>
    %dma_start3A_23 = arith.constant 0 : i32
    %dma_start3A_24 = arith.constant 0 : i32
    %dma_start3A_25 = tpu.memref_slice %arg3[%dma_start3A_23, %dma_start3A_24] : memref<4096x64xf32, #tpu.memory_space<hbm>> -> memref<4096x64xf32, #tpu.memory_space<hbm>>
    tpu.enqueue_indirect_dma source(%dma_start3A_25 : memref<4096x64xf32, #tpu.memory_space<hbm>>) target(%dma_start3A_19 : memref<128x64xf32, #tpu.memory_space<vmem>>) offsets(%dma_start3A_22 : memref<128xi32, #tpu.memory_space<vmem>>) semaphore(%arg11 : memref<!tpu.dma_semaphore, #tpu.memory_space<semaphore_mem>>)
    %dma_start3A_26 = arith.constant 1 : i32
    %dma_start3A_27 = arith.constant 1 : i32
    %dma_start3A_28 = arith.constant 0 : i32
    %dma_start3A_29 = arith.constant 0 : i32
    %dma_start3A_30 = tpu.memref_slice %arg8[%dma_start3A_27, %dma_start3A_28, %dma_start3A_29] : memref<2x128x64xf32, #tpu.memory_space<vmem>> -> memref<1x128x64xf32, #tpu.memory_space<vmem>>
    %dma_start3A_31 = tpu.memref_squeeze %dma_start3A_30 : memref<1x128x64xf32, #tpu.memory_space<vmem>> -> memref<128x64xf32, #tpu.memory_space<vmem>>
    %dma_start3A_32 = arith.constant 0 : i32
    %dma_start3A_33 = tpu.memref_slice %arg7[%dma_start3A_26, %dma_start3A_32] : memref<2x128xi32, #tpu.memory_space<vmem>> -> memref<1x128xi32, #tpu.memory_space<vmem>>
    %dma_start3A_34 = tpu.memref_squeeze %dma_start3A_33 : memref<1x128xi32, #tpu.memory_space<vmem>> -> memref<128xi32, #tpu.memory_space<vmem>>
    %dma_start3A_35 = arith.constant 0 : i32
    %dma_start3A_36 = arith.constant 0 : i32
    %dma_start3A_37 = tpu.memref_slice %arg2[%dma_start3A_35, %dma_start3A_36] : memref<4096x64xf32, #tpu.memory_space<hbm>> -> memref<4096x64xf32, #tpu.memory_space<hbm>>
    tpu.enqueue_indirect_dma source(%dma_start3A_37 : memref<4096x64xf32, #tpu.memory_space<hbm>>) target(%dma_start3A_31 : memref<128x64xf32, #tpu.memory_space<vmem>>) offsets(%dma_start3A_34 : memref<128xi32, #tpu.memory_space<vmem>>) semaphore(%arg12 : memref<!tpu.dma_semaphore, #tpu.memory_space<semaphore_mem>>)
    %dma_start3A_38 = arith.constant 1 : i32
    %dma_start3A_39 = arith.constant 1 : i32
    %dma_start3A_40 = arith.constant 0 : i32
    %dma_start3A_41 = arith.constant 0 : i32
    %dma_start3A_42 = tpu.memref_slice %arg9[%dma_start3A_39, %dma_start3A_40, %dma_start3A_41] : memref<2x128x64xf32, #tpu.memory_space<vmem>> -> memref<1x128x64xf32, #tpu.memory_space<vmem>>
    %dma_start3A_43 = tpu.memref_squeeze %dma_start3A_42 : memref<1x128x64xf32, #tpu.memory_space<vmem>> -> memref<128x64xf32, #tpu.memory_space<vmem>>
    %dma_start3A_44 = arith.constant 0 : i32
    %dma_start3A_45 = tpu.memref_slice %arg7[%dma_start3A_38, %dma_start3A_44] : memref<2x128xi32, #tpu.memory_space<vmem>> -> memref<1x128xi32, #tpu.memory_space<vmem>>
    %dma_start3A_46 = tpu.memref_squeeze %dma_start3A_45 : memref<1x128xi32, #tpu.memory_space<vmem>> -> memref<128xi32, #tpu.memory_space<vmem>>
    %dma_start3A_47 = arith.constant 0 : i32
    %dma_start3A_48 = arith.constant 0 : i32
    %dma_start3A_49 = tpu.memref_slice %arg3[%dma_start3A_47, %dma_start3A_48] : memref<4096x64xf32, #tpu.memory_space<hbm>> -> memref<4096x64xf32, #tpu.memory_space<hbm>>
    tpu.enqueue_indirect_dma source(%dma_start3A_49 : memref<4096x64xf32, #tpu.memory_space<hbm>>) target(%dma_start3A_43 : memref<128x64xf32, #tpu.memory_space<vmem>>) offsets(%dma_start3A_46 : memref<128xi32, #tpu.memory_space<vmem>>) semaphore(%arg13 : memref<!tpu.dma_semaphore, #tpu.memory_space<semaphore_mem>>)
    %add3A_50 = arith.constant 0 : i32
    %add3A_51 = arith.addi %mul3A_2, %add3A_50 : i32
    %mul3A_52 = arith.constant 128 : i32
    %mul3A_53 = arith.muli %add3A_51, %mul3A_52 : i32
    %dma_wait3A = arith.constant 0 : i32
    %dma_wait3A_54 = arith.constant 0 : i32
    %dma_wait3A_55 = arith.constant 0 : i32
    %dma_wait3A_56 = arith.constant 0 : i32
    %dma_wait3A_57 = tpu.memref_slice %arg8[%dma_wait3A_54, %dma_wait3A_55, %dma_wait3A_56] : memref<2x128x64xf32, #tpu.memory_space<vmem>> -> memref<1x128x64xf32, #tpu.memory_space<vmem>>
    %dma_wait3A_58 = tpu.memref_squeeze %dma_wait3A_57 : memref<1x128x64xf32, #tpu.memory_space<vmem>> -> memref<128x64xf32, #tpu.memory_space<vmem>>
    %dma_wait3A_59 = arith.constant 0 : i32
    %dma_wait3A_60 = tpu.memref_slice %arg7[%dma_wait3A, %dma_wait3A_59] : memref<2x128xi32, #tpu.memory_space<vmem>> -> memref<1x128xi32, #tpu.memory_space<vmem>>
    %dma_wait3A_61 = tpu.memref_squeeze %dma_wait3A_60 : memref<1x128xi32, #tpu.memory_space<vmem>> -> memref<128xi32, #tpu.memory_space<vmem>>
    %dma_wait3A_62 = arith.constant 0 : i32
    %dma_wait3A_63 = arith.constant 0 : i32
    %dma_wait3A_64 = tpu.memref_slice %arg2[%dma_wait3A_62, %dma_wait3A_63] : memref<4096x64xf32, #tpu.memory_space<hbm>> -> memref<4096x64xf32, #tpu.memory_space<hbm>>
    tpu.wait_indirect_dma semaphore(%arg10 : memref<!tpu.dma_semaphore, #tpu.memory_space<semaphore_mem>>) src(%dma_wait3A_64 : memref<4096x64xf32, #tpu.memory_space<hbm>>) dst(%dma_wait3A_58 : memref<128x64xf32, #tpu.memory_space<vmem>>)
    %dma_start3A_65 = arith.constant 0 : i32
    %dma_start3A_66 = arith.constant 0 : i32
    %dma_start3A_67 = arith.constant 0 : i32
    %dma_start3A_68 = arith.constant 0 : i32
    %dma_start3A_69 = tpu.memref_slice %arg8[%dma_start3A_65, %dma_start3A_67, %dma_start3A_68] : memref<2x128x64xf32, #tpu.memory_space<vmem>> -> memref<1x128x64xf32, #tpu.memory_space<vmem>>
    %dma_start3A_70 = tpu.memref_squeeze %dma_start3A_69 : memref<1x128x64xf32, #tpu.memory_space<vmem>> -> memref<128x64xf32, #tpu.memory_space<vmem>>
    %dma_start3A_71 = arith.constant 0 : i32
    %dma_start3A_72 = tpu.memref_slice %arg5[%mul3A_53, %dma_start3A_66, %dma_start3A_71] : memref<8192x1x64xf32, #tpu.memory_space<hbm>> -> memref<128x1x64xf32, #tpu.memory_space<hbm>>
    %dma_start3A_73 = tpu.memref_squeeze %dma_start3A_72 : memref<128x1x64xf32, #tpu.memory_space<hbm>> -> memref<128x64xf32, #tpu.memory_space<hbm>>
    %dma_start3A_74 = arith.constant 0 : i32
    %dma_start3A_75 = tpu.memref_slice %arg5[%mul3A_53, %dma_start3A_66, %dma_start3A_74] : memref<8192x1x64xf32, #tpu.memory_space<hbm>> -> memref<128x1x64xf32, #tpu.memory_space<hbm>>
    %dma_start3A_76 = tpu.memref_squeeze %dma_start3A_75 : memref<128x1x64xf32, #tpu.memory_space<hbm>> -> memref<128x64xf32, #tpu.memory_space<hbm>>
    %dma_start3A_77 = arith.constant 0 : i32
    %dma_start3A_78 = arith.constant 0 : i32
    %dma_start3A_79 = tpu.memref_slice %arg8[%dma_start3A_65, %dma_start3A_77, %dma_start3A_78] : memref<2x128x64xf32, #tpu.memory_space<vmem>> -> memref<1x128x64xf32, #tpu.memory_space<vmem>>
    %dma_start3A_80 = tpu.memref_squeeze %dma_start3A_79 : memref<1x128x64xf32, #tpu.memory_space<vmem>> -> memref<128x64xf32, #tpu.memory_space<vmem>>
    tpu.enqueue_dma source(%dma_start3A_80 : memref<128x64xf32, #tpu.memory_space<vmem>>) target(%dma_start3A_76 : memref<128x64xf32, #tpu.memory_space<hbm>>) target_semaphore(%arg14 : memref<!tpu.dma_semaphore, #tpu.memory_space<semaphore_mem>>)
    %dma_wait3A_81 = arith.constant 0 : i32
    %dma_wait3A_82 = arith.constant 0 : i32
    %dma_wait3A_83 = arith.constant 0 : i32
    %dma_wait3A_84 = arith.constant 0 : i32
    %dma_wait3A_85 = tpu.memref_slice %arg9[%dma_wait3A_82, %dma_wait3A_83, %dma_wait3A_84] : memref<2x128x64xf32, #tpu.memory_space<vmem>> -> memref<1x128x64xf32, #tpu.memory_space<vmem>>
    %dma_wait3A_86 = tpu.memref_squeeze %dma_wait3A_85 : memref<1x128x64xf32, #tpu.memory_space<vmem>> -> memref<128x64xf32, #tpu.memory_space<vmem>>
    %dma_wait3A_87 = arith.constant 0 : i32
    %dma_wait3A_88 = tpu.memref_slice %arg7[%dma_wait3A_81, %dma_wait3A_87] : memref<2x128xi32, #tpu.memory_space<vmem>> -> memref<1x128xi32, #tpu.memory_space<vmem>>
    %dma_wait3A_89 = tpu.memref_squeeze %dma_wait3A_88 : memref<1x128xi32, #tpu.memory_space<vmem>> -> memref<128xi32, #tpu.memory_space<vmem>>
    %dma_wait3A_90 = arith.constant 0 : i32
    %dma_wait3A_91 = arith.constant 0 : i32
    %dma_wait3A_92 = tpu.memref_slice %arg3[%dma_wait3A_90, %dma_wait3A_91] : memref<4096x64xf32, #tpu.memory_space<hbm>> -> memref<4096x64xf32, #tpu.memory_space<hbm>>
    tpu.wait_indirect_dma semaphore(%arg11 : memref<!tpu.dma_semaphore, #tpu.memory_space<semaphore_mem>>) src(%dma_wait3A_92 : memref<4096x64xf32, #tpu.memory_space<hbm>>) dst(%dma_wait3A_86 : memref<128x64xf32, #tpu.memory_space<vmem>>)
    %dma_start3A_93 = arith.constant 0 : i32
    %dma_start3A_94 = arith.constant 0 : i32
    %dma_start3A_95 = arith.constant 0 : i32
    %dma_start3A_96 = arith.constant 0 : i32
    %dma_start3A_97 = tpu.memref_slice %arg9[%dma_start3A_93, %dma_start3A_95, %dma_start3A_96] : memref<2x128x64xf32, #tpu.memory_space<vmem>> -> memref<1x128x64xf32, #tpu.memory_space<vmem>>
    %dma_start3A_98 = tpu.memref_squeeze %dma_start3A_97 : memref<1x128x64xf32, #tpu.memory_space<vmem>> -> memref<128x64xf32, #tpu.memory_space<vmem>>
    %dma_start3A_99 = arith.constant 0 : i32
    %dma_start3A_100 = tpu.memref_slice %arg6[%mul3A_53, %dma_start3A_94, %dma_start3A_99] : memref<8192x1x64xf32, #tpu.memory_space<hbm>> -> memref<128x1x64xf32, #tpu.memory_space<hbm>>
    %dma_start3A_101 = tpu.memref_squeeze %dma_start3A_100 : memref<128x1x64xf32, #tpu.memory_space<hbm>> -> memref<128x64xf32, #tpu.memory_space<hbm>>
    %dma_start3A_102 = arith.constant 0 : i32
    %dma_start3A_103 = tpu.memref_slice %arg6[%mul3A_53, %dma_start3A_94, %dma_start3A_102] : memref<8192x1x64xf32, #tpu.memory_space<hbm>> -> memref<128x1x64xf32, #tpu.memory_space<hbm>>
    %dma_start3A_104 = tpu.memref_squeeze %dma_start3A_103 : memref<128x1x64xf32, #tpu.memory_space<hbm>> -> memref<128x64xf32, #tpu.memory_space<hbm>>
    %dma_start3A_105 = arith.constant 0 : i32
    %dma_start3A_106 = arith.constant 0 : i32
    %dma_start3A_107 = tpu.memref_slice %arg9[%dma_start3A_93, %dma_start3A_105, %dma_start3A_106] : memref<2x128x64xf32, #tpu.memory_space<vmem>> -> memref<1x128x64xf32, #tpu.memory_space<vmem>>
    %dma_start3A_108 = tpu.memref_squeeze %dma_start3A_107 : memref<1x128x64xf32, #tpu.memory_space<vmem>> -> memref<128x64xf32, #tpu.memory_space<vmem>>
    tpu.enqueue_dma source(%dma_start3A_108 : memref<128x64xf32, #tpu.memory_space<vmem>>) target(%dma_start3A_104 : memref<128x64xf32, #tpu.memory_space<hbm>>) target_semaphore(%arg14 : memref<!tpu.dma_semaphore, #tpu.memory_space<semaphore_mem>>)
    %add3A_109 = arith.constant 1 : i32
    %add3A_110 = arith.addi %mul3A_2, %add3A_109 : i32
    %mul3A_111 = arith.constant 128 : i32
    %mul3A_112 = arith.muli %add3A_110, %mul3A_111 : i32
    %dma_wait3A_113 = arith.constant 1 : i32
    %dma_wait3A_114 = arith.constant 1 : i32
    %dma_wait3A_115 = arith.constant 0 : i32
    %dma_wait3A_116 = arith.constant 0 : i32
    %dma_wait3A_117 = tpu.memref_slice %arg8[%dma_wait3A_114, %dma_wait3A_115, %dma_wait3A_116] : memref<2x128x64xf32, #tpu.memory_space<vmem>> -> memref<1x128x64xf32, #tpu.memory_space<vmem>>
    %dma_wait3A_118 = tpu.memref_squeeze %dma_wait3A_117 : memref<1x128x64xf32, #tpu.memory_space<vmem>> -> memref<128x64xf32, #tpu.memory_space<vmem>>
    %dma_wait3A_119 = arith.constant 0 : i32
    %dma_wait3A_120 = tpu.memref_slice %arg7[%dma_wait3A_113, %dma_wait3A_119] : memref<2x128xi32, #tpu.memory_space<vmem>> -> memref<1x128xi32, #tpu.memory_space<vmem>>
    %dma_wait3A_121 = tpu.memref_squeeze %dma_wait3A_120 : memref<1x128xi32, #tpu.memory_space<vmem>> -> memref<128xi32, #tpu.memory_space<vmem>>
    %dma_wait3A_122 = arith.constant 0 : i32
    %dma_wait3A_123 = arith.constant 0 : i32
    %dma_wait3A_124 = tpu.memref_slice %arg2[%dma_wait3A_122, %dma_wait3A_123] : memref<4096x64xf32, #tpu.memory_space<hbm>> -> memref<4096x64xf32, #tpu.memory_space<hbm>>
    tpu.wait_indirect_dma semaphore(%arg12 : memref<!tpu.dma_semaphore, #tpu.memory_space<semaphore_mem>>) src(%dma_wait3A_124 : memref<4096x64xf32, #tpu.memory_space<hbm>>) dst(%dma_wait3A_118 : memref<128x64xf32, #tpu.memory_space<vmem>>)
    %dma_start3A_125 = arith.constant 1 : i32
    %dma_start3A_126 = arith.constant 0 : i32
    %dma_start3A_127 = arith.constant 0 : i32
    %dma_start3A_128 = arith.constant 0 : i32
    %dma_start3A_129 = tpu.memref_slice %arg8[%dma_start3A_125, %dma_start3A_127, %dma_start3A_128] : memref<2x128x64xf32, #tpu.memory_space<vmem>> -> memref<1x128x64xf32, #tpu.memory_space<vmem>>
    %dma_start3A_130 = tpu.memref_squeeze %dma_start3A_129 : memref<1x128x64xf32, #tpu.memory_space<vmem>> -> memref<128x64xf32, #tpu.memory_space<vmem>>
    %dma_start3A_131 = arith.constant 0 : i32
    %dma_start3A_132 = tpu.memref_slice %arg5[%mul3A_112, %dma_start3A_126, %dma_start3A_131] : memref<8192x1x64xf32, #tpu.memory_space<hbm>> -> memref<128x1x64xf32, #tpu.memory_space<hbm>>
    %dma_start3A_133 = tpu.memref_squeeze %dma_start3A_132 : memref<128x1x64xf32, #tpu.memory_space<hbm>> -> memref<128x64xf32, #tpu.memory_space<hbm>>
    %dma_start3A_134 = arith.constant 0 : i32
    %dma_start3A_135 = tpu.memref_slice %arg5[%mul3A_112, %dma_start3A_126, %dma_start3A_134] : memref<8192x1x64xf32, #tpu.memory_space<hbm>> -> memref<128x1x64xf32, #tpu.memory_space<hbm>>
    %dma_start3A_136 = tpu.memref_squeeze %dma_start3A_135 : memref<128x1x64xf32, #tpu.memory_space<hbm>> -> memref<128x64xf32, #tpu.memory_space<hbm>>
    %dma_start3A_137 = arith.constant 0 : i32
    %dma_start3A_138 = arith.constant 0 : i32
    %dma_start3A_139 = tpu.memref_slice %arg8[%dma_start3A_125, %dma_start3A_137, %dma_start3A_138] : memref<2x128x64xf32, #tpu.memory_space<vmem>> -> memref<1x128x64xf32, #tpu.memory_space<vmem>>
    %dma_start3A_140 = tpu.memref_squeeze %dma_start3A_139 : memref<1x128x64xf32, #tpu.memory_space<vmem>> -> memref<128x64xf32, #tpu.memory_space<vmem>>
    tpu.enqueue_dma source(%dma_start3A_140 : memref<128x64xf32, #tpu.memory_space<vmem>>) target(%dma_start3A_136 : memref<128x64xf32, #tpu.memory_space<hbm>>) target_semaphore(%arg14 : memref<!tpu.dma_semaphore, #tpu.memory_space<semaphore_mem>>)
    %dma_wait3A_141 = arith.constant 1 : i32
    %dma_wait3A_142 = arith.constant 1 : i32
    %dma_wait3A_143 = arith.constant 0 : i32
    %dma_wait3A_144 = arith.constant 0 : i32
    %dma_wait3A_145 = tpu.memref_slice %arg9[%dma_wait3A_142, %dma_wait3A_143, %dma_wait3A_144] : memref<2x128x64xf32, #tpu.memory_space<vmem>> -> memref<1x128x64xf32, #tpu.memory_space<vmem>>
    %dma_wait3A_146 = tpu.memref_squeeze %dma_wait3A_145 : memref<1x128x64xf32, #tpu.memory_space<vmem>> -> memref<128x64xf32, #tpu.memory_space<vmem>>
    %dma_wait3A_147 = arith.constant 0 : i32
    %dma_wait3A_148 = tpu.memref_slice %arg7[%dma_wait3A_141, %dma_wait3A_147] : memref<2x128xi32, #tpu.memory_space<vmem>> -> memref<1x128xi32, #tpu.memory_space<vmem>>
    %dma_wait3A_149 = tpu.memref_squeeze %dma_wait3A_148 : memref<1x128xi32, #tpu.memory_space<vmem>> -> memref<128xi32, #tpu.memory_space<vmem>>
    %dma_wait3A_150 = arith.constant 0 : i32
    %dma_wait3A_151 = arith.constant 0 : i32
    %dma_wait3A_152 = tpu.memref_slice %arg3[%dma_wait3A_150, %dma_wait3A_151] : memref<4096x64xf32, #tpu.memory_space<hbm>> -> memref<4096x64xf32, #tpu.memory_space<hbm>>
    tpu.wait_indirect_dma semaphore(%arg13 : memref<!tpu.dma_semaphore, #tpu.memory_space<semaphore_mem>>) src(%dma_wait3A_152 : memref<4096x64xf32, #tpu.memory_space<hbm>>) dst(%dma_wait3A_146 : memref<128x64xf32, #tpu.memory_space<vmem>>)
    %dma_start3A_153 = arith.constant 1 : i32
    %dma_start3A_154 = arith.constant 0 : i32
    %dma_start3A_155 = arith.constant 0 : i32
    %dma_start3A_156 = arith.constant 0 : i32
    %dma_start3A_157 = tpu.memref_slice %arg9[%dma_start3A_153, %dma_start3A_155, %dma_start3A_156] : memref<2x128x64xf32, #tpu.memory_space<vmem>> -> memref<1x128x64xf32, #tpu.memory_space<vmem>>
    %dma_start3A_158 = tpu.memref_squeeze %dma_start3A_157 : memref<1x128x64xf32, #tpu.memory_space<vmem>> -> memref<128x64xf32, #tpu.memory_space<vmem>>
    %dma_start3A_159 = arith.constant 0 : i32
    %dma_start3A_160 = tpu.memref_slice %arg6[%mul3A_112, %dma_start3A_154, %dma_start3A_159] : memref<8192x1x64xf32, #tpu.memory_space<hbm>> -> memref<128x1x64xf32, #tpu.memory_space<hbm>>
    %dma_start3A_161 = tpu.memref_squeeze %dma_start3A_160 : memref<128x1x64xf32, #tpu.memory_space<hbm>> -> memref<128x64xf32, #tpu.memory_space<hbm>>
    %dma_start3A_162 = arith.constant 0 : i32
    %dma_start3A_163 = tpu.memref_slice %arg6[%mul3A_112, %dma_start3A_154, %dma_start3A_162] : memref<8192x1x64xf32, #tpu.memory_space<hbm>> -> memref<128x1x64xf32, #tpu.memory_space<hbm>>
    %dma_start3A_164 = tpu.memref_squeeze %dma_start3A_163 : memref<128x1x64xf32, #tpu.memory_space<hbm>> -> memref<128x64xf32, #tpu.memory_space<hbm>>
    %dma_start3A_165 = arith.constant 0 : i32
    %dma_start3A_166 = arith.constant 0 : i32
    %dma_start3A_167 = tpu.memref_slice %arg9[%dma_start3A_153, %dma_start3A_165, %dma_start3A_166] : memref<2x128x64xf32, #tpu.memory_space<vmem>> -> memref<1x128x64xf32, #tpu.memory_space<vmem>>
    %dma_start3A_168 = tpu.memref_squeeze %dma_start3A_167 : memref<1x128x64xf32, #tpu.memory_space<vmem>> -> memref<128x64xf32, #tpu.memory_space<vmem>>
    tpu.enqueue_dma source(%dma_start3A_168 : memref<128x64xf32, #tpu.memory_space<vmem>>) target(%dma_start3A_164 : memref<128x64xf32, #tpu.memory_space<hbm>>) target_semaphore(%arg14 : memref<!tpu.dma_semaphore, #tpu.memory_space<semaphore_mem>>)
    %dma_wait3A_169 = arith.constant 0 : i32
    %dma_wait3A_170 = arith.constant 0 : i32
    %dma_wait3A_171 = arith.constant 0 : i32
    %dma_wait3A_172 = arith.constant 0 : i32
    %dma_wait3A_173 = tpu.memref_slice %arg8[%dma_wait3A_169, %dma_wait3A_171, %dma_wait3A_172] : memref<2x128x64xf32, #tpu.memory_space<vmem>> -> memref<1x128x64xf32, #tpu.memory_space<vmem>>
    %dma_wait3A_174 = tpu.memref_squeeze %dma_wait3A_173 : memref<1x128x64xf32, #tpu.memory_space<vmem>> -> memref<128x64xf32, #tpu.memory_space<vmem>>
    %dma_wait3A_175 = arith.constant 0 : i32
    %dma_wait3A_176 = tpu.memref_slice %arg5[%mul3A_53, %dma_wait3A_170, %dma_wait3A_175] : memref<8192x1x64xf32, #tpu.memory_space<hbm>> -> memref<128x1x64xf32, #tpu.memory_space<hbm>>
    %dma_wait3A_177 = tpu.memref_squeeze %dma_wait3A_176 : memref<128x1x64xf32, #tpu.memory_space<hbm>> -> memref<128x64xf32, #tpu.memory_space<hbm>>
    %dma_wait3A_178 = arith.constant 0 : i32
    %dma_wait3A_179 = tpu.memref_slice %arg5[%mul3A_53, %dma_wait3A_170, %dma_wait3A_178] : memref<8192x1x64xf32, #tpu.memory_space<hbm>> -> memref<128x1x64xf32, #tpu.memory_space<hbm>>
    %dma_wait3A_180 = tpu.memref_squeeze %dma_wait3A_179 : memref<128x1x64xf32, #tpu.memory_space<hbm>> -> memref<128x64xf32, #tpu.memory_space<hbm>>
    %dma_wait3A_181 = arith.constant 0 : i32
    %dma_wait3A_182 = arith.constant 0 : i32
    %dma_wait3A_183 = tpu.memref_slice %arg8[%dma_wait3A_169, %dma_wait3A_181, %dma_wait3A_182] : memref<2x128x64xf32, #tpu.memory_space<vmem>> -> memref<1x128x64xf32, #tpu.memory_space<vmem>>
    %dma_wait3A_184 = tpu.memref_squeeze %dma_wait3A_183 : memref<1x128x64xf32, #tpu.memory_space<vmem>> -> memref<128x64xf32, #tpu.memory_space<vmem>>
    tpu.wait_dma2 semaphore(%arg14 : memref<!tpu.dma_semaphore, #tpu.memory_space<semaphore_mem>>) src(%dma_wait3A_184 : memref<128x64xf32, #tpu.memory_space<vmem>>) dst(%dma_wait3A_180 : memref<128x64xf32, #tpu.memory_space<hbm>>)
    %dma_wait3A_185 = arith.constant 0 : i32
    %dma_wait3A_186 = arith.constant 0 : i32
    %dma_wait3A_187 = arith.constant 0 : i32
    %dma_wait3A_188 = arith.constant 0 : i32
    %dma_wait3A_189 = tpu.memref_slice %arg9[%dma_wait3A_185, %dma_wait3A_187, %dma_wait3A_188] : memref<2x128x64xf32, #tpu.memory_space<vmem>> -> memref<1x128x64xf32, #tpu.memory_space<vmem>>
    %dma_wait3A_190 = tpu.memref_squeeze %dma_wait3A_189 : memref<1x128x64xf32, #tpu.memory_space<vmem>> -> memref<128x64xf32, #tpu.memory_space<vmem>>
    %dma_wait3A_191 = arith.constant 0 : i32
    %dma_wait3A_192 = tpu.memref_slice %arg6[%mul3A_53, %dma_wait3A_186, %dma_wait3A_191] : memref<8192x1x64xf32, #tpu.memory_space<hbm>> -> memref<128x1x64xf32, #tpu.memory_space<hbm>>
    %dma_wait3A_193 = tpu.memref_squeeze %dma_wait3A_192 : memref<128x1x64xf32, #tpu.memory_space<hbm>> -> memref<128x64xf32, #tpu.memory_space<hbm>>
    %dma_wait3A_194 = arith.constant 0 : i32
    %dma_wait3A_195 = tpu.memref_slice %arg6[%mul3A_53, %dma_wait3A_186, %dma_wait3A_194] : memref<8192x1x64xf32, #tpu.memory_space<hbm>> -> memref<128x1x64xf32, #tpu.memory_space<hbm>>
    %dma_wait3A_196 = tpu.memref_squeeze %dma_wait3A_195 : memref<128x1x64xf32, #tpu.memory_space<hbm>> -> memref<128x64xf32, #tpu.memory_space<hbm>>
    %dma_wait3A_197 = arith.constant 0 : i32
    %dma_wait3A_198 = arith.constant 0 : i32
    %dma_wait3A_199 = tpu.memref_slice %arg9[%dma_wait3A_185, %dma_wait3A_197, %dma_wait3A_198] : memref<2x128x64xf32, #tpu.memory_space<vmem>> -> memref<1x128x64xf32, #tpu.memory_space<vmem>>
    %dma_wait3A_200 = tpu.memref_squeeze %dma_wait3A_199 : memref<1x128x64xf32, #tpu.memory_space<vmem>> -> memref<128x64xf32, #tpu.memory_space<vmem>>
    tpu.wait_dma2 semaphore(%arg14 : memref<!tpu.dma_semaphore, #tpu.memory_space<semaphore_mem>>) src(%dma_wait3A_200 : memref<128x64xf32, #tpu.memory_space<vmem>>) dst(%dma_wait3A_196 : memref<128x64xf32, #tpu.memory_space<hbm>>)
    %dma_wait3A_201 = arith.constant 1 : i32
    %dma_wait3A_202 = arith.constant 0 : i32
    %dma_wait3A_203 = arith.constant 0 : i32
    %dma_wait3A_204 = arith.constant 0 : i32
    %dma_wait3A_205 = tpu.memref_slice %arg8[%dma_wait3A_201, %dma_wait3A_203, %dma_wait3A_204] : memref<2x128x64xf32, #tpu.memory_space<vmem>> -> memref<1x128x64xf32, #tpu.memory_space<vmem>>
    %dma_wait3A_206 = tpu.memref_squeeze %dma_wait3A_205 : memref<1x128x64xf32, #tpu.memory_space<vmem>> -> memref<128x64xf32, #tpu.memory_space<vmem>>
    %dma_wait3A_207 = arith.constant 0 : i32
    %dma_wait3A_208 = tpu.memref_slice %arg5[%mul3A_112, %dma_wait3A_202, %dma_wait3A_207] : memref<8192x1x64xf32, #tpu.memory_space<hbm>> -> memref<128x1x64xf32, #tpu.memory_space<hbm>>
    %dma_wait3A_209 = tpu.memref_squeeze %dma_wait3A_208 : memref<128x1x64xf32, #tpu.memory_space<hbm>> -> memref<128x64xf32, #tpu.memory_space<hbm>>
    %dma_wait3A_210 = arith.constant 0 : i32
    %dma_wait3A_211 = tpu.memref_slice %arg5[%mul3A_112, %dma_wait3A_202, %dma_wait3A_210] : memref<8192x1x64xf32, #tpu.memory_space<hbm>> -> memref<128x1x64xf32, #tpu.memory_space<hbm>>
    %dma_wait3A_212 = tpu.memref_squeeze %dma_wait3A_211 : memref<128x1x64xf32, #tpu.memory_space<hbm>> -> memref<128x64xf32, #tpu.memory_space<hbm>>
    %dma_wait3A_213 = arith.constant 0 : i32
    %dma_wait3A_214 = arith.constant 0 : i32
    %dma_wait3A_215 = tpu.memref_slice %arg8[%dma_wait3A_201, %dma_wait3A_213, %dma_wait3A_214] : memref<2x128x64xf32, #tpu.memory_space<vmem>> -> memref<1x128x64xf32, #tpu.memory_space<vmem>>
    %dma_wait3A_216 = tpu.memref_squeeze %dma_wait3A_215 : memref<1x128x64xf32, #tpu.memory_space<vmem>> -> memref<128x64xf32, #tpu.memory_space<vmem>>
    tpu.wait_dma2 semaphore(%arg14 : memref<!tpu.dma_semaphore, #tpu.memory_space<semaphore_mem>>) src(%dma_wait3A_216 : memref<128x64xf32, #tpu.memory_space<vmem>>) dst(%dma_wait3A_212 : memref<128x64xf32, #tpu.memory_space<hbm>>)
    %dma_wait3A_217 = arith.constant 1 : i32
    %dma_wait3A_218 = arith.constant 0 : i32
    %dma_wait3A_219 = arith.constant 0 : i32
    %dma_wait3A_220 = arith.constant 0 : i32
    %dma_wait3A_221 = tpu.memref_slice %arg9[%dma_wait3A_217, %dma_wait3A_219, %dma_wait3A_220] : memref<2x128x64xf32, #tpu.memory_space<vmem>> -> memref<1x128x64xf32, #tpu.memory_space<vmem>>
    %dma_wait3A_222 = tpu.memref_squeeze %dma_wait3A_221 : memref<1x128x64xf32, #tpu.memory_space<vmem>> -> memref<128x64xf32, #tpu.memory_space<vmem>>
    %dma_wait3A_223 = arith.constant 0 : i32
    %dma_wait3A_224 = tpu.memref_slice %arg6[%mul3A_112, %dma_wait3A_218, %dma_wait3A_223] : memref<8192x1x64xf32, #tpu.memory_space<hbm>> -> memref<128x1x64xf32, #tpu.memory_space<hbm>>
    %dma_wait3A_225 = tpu.memref_squeeze %dma_wait3A_224 : memref<128x1x64xf32, #tpu.memory_space<hbm>> -> memref<128x64xf32, #tpu.memory_space<hbm>>
    %dma_wait3A_226 = arith.constant 0 : i32
    %dma_wait3A_227 = tpu.memref_slice %arg6[%mul3A_112, %dma_wait3A_218, %dma_wait3A_226] : memref<8192x1x64xf32, #tpu.memory_space<hbm>> -> memref<128x1x64xf32, #tpu.memory_space<hbm>>
    %dma_wait3A_228 = tpu.memref_squeeze %dma_wait3A_227 : memref<128x1x64xf32, #tpu.memory_space<hbm>> -> memref<128x64xf32, #tpu.memory_space<hbm>>
    %dma_wait3A_229 = arith.constant 0 : i32
    %dma_wait3A_230 = arith.constant 0 : i32
    %dma_wait3A_231 = tpu.memref_slice %arg9[%dma_wait3A_217, %dma_wait3A_229, %dma_wait3A_230] : memref<2x128x64xf32, #tpu.memory_space<vmem>> -> memref<1x128x64xf32, #tpu.memory_space<vmem>>
    %dma_wait3A_232 = tpu.memref_squeeze %dma_wait3A_231 : memref<1x128x64xf32, #tpu.memory_space<vmem>> -> memref<128x64xf32, #tpu.memory_space<vmem>>
    tpu.wait_dma2 semaphore(%arg14 : memref<!tpu.dma_semaphore, #tpu.memory_space<semaphore_mem>>) src(%dma_wait3A_232 : memref<128x64xf32, #tpu.memory_space<vmem>>) dst(%dma_wait3A_228 : memref<128x64xf32, #tpu.memory_space<hbm>>)
    return
  }
}

</mosaic_0001>

<sc_bundles>
// kernel: kernel.3.cloned.1.call-start
scs
__scs_entry_jumppad:
0x0: {  	(pc) =	sbr.rel $0x88, $3  }
0x1: {  	(tag) =	ssettag $0x0;
	lr =	simm.s32 $0x1  }
0x2: {  	[smem:$0x3F9E] =	sst lr;
	_ =	strace $0xD0000000  }
0x3: {  	_ = 	snop  }
0x4: {  	_ = 	snop  }
0x5: {  	_ = 	snop  }
0x6: {  	_ = 	snop  }
0x7: {  	_ = 	snop  }
__scs_overlays_trampoline_lowered:
0x8: {  	[smem:$0x3FAD] =	sst s0  }
0x9: {  	[smem:$0x3FAE] =	sst s1  }
0xa: {  	[smem:$0x3FAF] =	sst s2  }
0xb: {  	[smem:$0x3FB0] =	sst s3  }
0xc: {  	[smem:$0x3FB1] =	sst s4  }
0xd: {  	[smem:$0x3FB2] =	sst s5  }
0xe: {  	[smem:$0x3FB3] =	sst s6  }
0xf: {  	[smem:$0x3FB4] =	sst s7  }
0x10: {  	[smem:$0x3FB5] =	sst s8  }
0x11: {  	[smem:$0x3FB6] =	sst s9;
	s0 =	simm.s32 @!p0 $0x0  }
0x12: {  	s1 =	sld [smem:$0x3F9C];
	s0 =	simm.s32 @p0 $0x1  }
0x13: {  	[smem:$0x3FB7] =	sst s0;
	s0 =	simm.s32 @!p1 $0x0  }
0x14: {  	s2 =	sld [smem:$0x3F9B];
	s0 =	simm.s32 @p1 $0x1  }
0x15: {  	[smem:$0x3FB8] =	sst s0;
	s0 =	simm.s32 @!p2 $0x0  }
0x16: {  	s3 =	sld [smem:$0x3FDB];
	s0 =	simm.s32 @p2 $0x1  }
0x17: {  	s4 =	simm.s32 $0x1BF5;
	[smem:$0x3FBA] =	sst s0  }
0x18: {  	s0 =	sld [smem:$0x3F9D];
	_ =	swait.ge [sflag:s4], $0x0  }
0x19: {  	s7 =	sld [smem:$0x3F9E]  }
0x1a: {  	s8 =	sadd.s32 $0xFFFFE003, lr  }
0x1b: {  	s9 =	sadd.s32 $0xFFFFFEF7, lr;
	s5 =	simm.s32 $0xFFFFFFFF;
	p2 =	slt.u32 s8, $0xFFFFF086  }
0x1c: {  	p1 =	slt.u32 s9, $0xF7A;
	s5 =	simm.s32 @!p2 $0x0  }
0x1d: {  	s5 =	simm.s32 @p1 $0x1;
	p0 =	seq.s32 s7, s2  }
0x1e: {  	s7 =	smul.u32 @!p0 $0xF7A, s2;
	p2 =	seq.s32 @!p0 s5, $0x0  }
0x1f: {  	s9 =	smul.u32 $0xF7A, s1;
	s8 =	simm.s32 @!p0 $0x1BF5;
	p2 =	por !p2, p0  }
0x20: {  	[sflag:s8] =	ssyncset.s32 @!p0 $0xFFFFF086;
	s6 =	sadd.s32 @!p0 s3, s7;
	s7 =	simm.s32 @!p0 $0x108  }
0x21: {  	s3 =	sadd.s32 s3, s9;
	s6 =	sadd.s32 @!p0 $0x88, s6;
	s7 =	simm.s32 @p2 $0x1082  }
0x22: {  	[simem:s7], [sflag:s8] =	dma.local @!p0 [hbm:s6], $0xF7A  }
0x23: {  	s9 =	sor.u32 $0xD0000000, s2;
	s6 =	simm.s32 $0x108;
	_ =	swait.ge @!p0 [sflag:s8], $0x0  }
0x24: {  	s3 =	sadd.s32 $0x88, s3;
	s6 =	simm.s32 @!p1 $0x1082;
	[sflag:s4] =	ssyncset.s32 $0xFFFFF086  }
0x25: {  	[simem:s6], [sflag:s4] =	dma.local [hbm:s3], $0xF7A  }
0x26: {  	[smem:$0x3F9E] =	sst s1;
	(tag) =	ssettag s2;
	_ =	strace s9  }
0x27: {  	s1 =	sld [smem:$0x3FAE]  }
0x28: {  	s2 =	sld [smem:$0x3FAF]  }
0x29: {  	s4 =	sld [smem:$0x3FB1]  }
0x2a: {  	p0 =	seq.s32 s5, $0x0;
	s5 =	sld [smem:$0x3FB2]  }
0x2b: {  	s6 =	sld [smem:$0x3FB3]  }
0x2c: {  	s7 =	sld [smem:$0x3FB4]  }
0x2d: {  	s3 =	simm.s32 $0x108;
	s8 =	sld [smem:$0x3FB5]  }
0x2e: {  	s3 =	simm.s32 @!p0 $0x1082;
	s9 =	sld [smem:$0x3FB6]  }
0x2f: {  	lr =	sadd.s32 s0, s3;
	s0 =	sld [smem:$0x3FAD]  }
0x30: {  	s3 =	sld [smem:$0x3FB0]  }
0x31: {  	[smem:$0x3FB9] =	sst s10  }
0x32: {  	s10 =	sld [smem:$0x3FB7];
	_ =	sdelay $0x3  }
0x33: {  	p0 =	seq.s32 s10, $0x1;
	s10 =	sld [smem:$0x3FB9];
	_ =	sdelay $0x3  }
0x34: {  	[smem:$0x3FB9] =	sst s10  }
0x35: {  	s10 =	sld [smem:$0x3FB8];
	_ =	sdelay $0x3  }
0x36: {  	p1 =	seq.s32 s10, $0x1;
	s10 =	sld [smem:$0x3FB9];
	_ =	sdelay $0x3  }
0x37: {  	[smem:$0x3FB9] =	sst s10  }
0x38: {  	s10 =	sld [smem:$0x3FBA]  }
0x39: {  	_ = 	snop;
	(pc) =	sbr.ind lr, $3  }
0x3a: {  	_ = 	snop  }
0x3b: {  	_ = 	snop  }
0x3c: {  	p2 =	seq.s32 s10, $0x1;
	s10 =	sld [smem:$0x3FB9]  }
0x3d: {  	_ =	shalt  }
0x3e: {  	_ =	shalt  }
0x3f: {  	_ =	shalt  }
0x40: {  	_ =	shalt  }
0x41: {  	_ =	shalt  }
0x42: {  	_ =	shalt  }
0x43: {  	_ =	shalt  }
0x44: {  	_ =	shalt  }
0x45: {  	_ =	shalt  }
0x46: {  	_ =	shalt  }
0x47: {  	_ =	shalt  }
0x48: {  	_ =	shalt  }
0x49: {  	_ =	shalt  }
0x4a: {  	_ =	shalt  }
0x4b: {  	_ =	shalt  }
0x4c: {  	_ =	shalt  }
0x4d: {  	_ =	shalt  }
0x4e: {  	_ =	shalt  }
0x4f: {  	_ =	shalt  }
0x50: {  	_ =	shalt  }
0x51: {  	_ =	shalt  }
0x52: {  	_ =	shalt  }
0x53: {  	_ =	shalt  }
0x54: {  	_ =	shalt  }
0x55: {  	_ =	shalt  }
0x56: {  	_ =	shalt  }
0x57: {  	_ =	shalt  }
0x58: {  	_ =	shalt  }
0x59: {  	_ =	shalt  }
0x5a: {  	_ =	shalt  }
0x5b: {  	_ =	shalt  }
0x5c: {  	_ =	shalt  }
0x5d: {  	_ =	shalt  }
0x5e: {  	_ =	shalt  }
0x5f: {  	_ =	shalt  }
0x60: {  	_ =	shalt  }
0x61: {  	_ =	shalt  }
0x62: {  	_ =	shalt  }
0x63: {  	_ =	shalt  }
0x64: {  	_ =	shalt  }
0x65: {  	_ =	shalt  }
0x66: {  	_ =	shalt  }
0x67: {  	_ =	shalt  }
0x68: {  	_ =	shalt  }
0x69: {  	_ =	shalt  }
0x6a: {  	_ =	shalt  }
0x6b: {  	_ =	shalt  }
0x6c: {  	_ =	shalt  }
0x6d: {  	_ =	shalt  }
0x6e: {  	_ =	shalt  }
0x6f: {  	_ =	shalt  }
0x70: {  	_ =	shalt  }
0x71: {  	_ =	shalt  }
0x72: {  	_ =	shalt  }
0x73: {  	_ =	shalt  }
0x74: {  	_ =	shalt  }
0x75: {  	_ =	shalt  }
0x76: {  	_ =	shalt  }
0x77: {  	_ =	shalt  }
0x78: {  	_ =	shalt  }
0x79: {  	_ =	shalt  }
0x7a: {  	_ =	shalt  }
0x7b: {  	_ =	shalt  }
0x7c: {  	_ =	shalt  }
0x7d: {  	_ =	shalt  }
0x7e: {  	_ =	shalt  }
0x7f: {  	_ =	shalt  }
0x80: {  	_ =	shalt  }
0x81: {  	_ =	shalt  }
0x82: {  	_ =	shalt  }
0x83: {  	_ =	shalt  }
0x84: {  	_ =	shalt  }
0x85: {  	_ =	shalt  }
0x86: {  	_ =	shalt  }
0x87: {  	_ =	shalt  }
.Lfunc_end0:
.L_simem_size_0:
called_computation_lowered:
.L_overlay_start_0:
0x88: {  	s2 =	sld [smem:$0x3FD9]  }
0x89: {  	s3 =	sld [smem:$0x3FFE];
	_ =	sdelay $0x1  }
0x8a: {  	s1 =	srdreg.scid  }
0x8b: {  	s0 =	sand.u32 $0x1, s1  }
0x8c: {  	s14 =	sshll.u32 s0, $0xA;
	s2 =	sadd.s32 s3, s2  }
0x8d: {  	s2 =	sadd.s32 s2, s14  }
0x8e: {  	[smem:$0x3FC5] =	sst s2  }
0x8f: {  	_ = 	snop  }
0x90: {  	s2 =	sld [smem:$0x3FD0];
	_ =	sdelay $0x2  }
0x91: {  	s15 =	simm.s32 $0xA;
	s4 =	simm.s32 $0x10  }
0x92: {  	[smem:s4], [sflag:s15] =	dma.local [hbm:s2], $0x1  }
0x93: {  	_ =	swait.eq [sflag:s15], $0x1  }
0x94: {  	[sflag:s15] =	ssyncset.done $0x0  }
0x95: {  	s16 =	sld [smem:$0x10];
	[sflag:s15] =	ssyncadd.s32 $0xFFFFFFFF  }
0x96: {  	s17 =	sld [smem:$0x11];
	(tm) =	ssettm $0x1  }
0x97: {  	s18 =	sld [smem:$0x3FFB];
	_ =	sdelay $0x3  }
0x98: {  	_ =	strace s18  }
0x99: {  	s4 =	sld [smem:$0x3FFC];
	_ =	sdelay $0x3  }
0x9a: {  	_ =	strace s4  }
0x9b: {  	s4 =	sld [smem:$0x3FFD];
	_ =	sdelay $0x3  }
0x9c: {  	_ =	strace s4  }
0x9d: {  	_ =	strace $0x8FFFFFFF  }
0x9e: {  	s19 =	sld [smem:$0x3FDB];
	_ =	sdelay $0x1  }
0x9f: {  	s5 =	simm.s32 $_scs_section_size  }
0xa0: {  	s6 =	simm.s32 $_size__tile_overlayer_lowered;
	s7 =	simm.s32 $_tile_overlayer_lowered  }
0xa1: {  	s22 =	simm.s32 $0x1BFF;
	s21 =	sshll.u32 s7, $0x1;
	s4 =	sadd.s32 s5, s19  }
0xa2: {  	s8 =	simm.s32 $0x0;
	s20 =	sshll.u32 s6, $0x1;
	s6 =	sadd.s32 s21, s4  }
0xa3: {  	[timem:s8], [sflag:s22] =	dma.local [hbm:s6], s20  }
0xa4: {  	_ =	swait.ge [sflag:s22], s20  }
0xa5: {  	s5 =	ssub.s32 $0x0, s20;
	[sflag:s22] =	ssyncset.done $0x0  }
0xa6: {  	[sflag:s22] =	ssyncadd.s32 s5;
	_ =	sdelay $0x1  }
0xa7: {  	s23 =	simm.s32 $0x1B8B  }
0xa8: {  	_ =	swait.ge [sflag:s23], $0x1  }
0xa9: {  	[sflag:s23] =	ssyncset.done $0x0  }
0xaa: {  	s25 =	simm.s32 $0x1B8E;
	s24 =	sld [smem:$0x3FFE];
	[sflag:s23] =	ssyncadd.s32 $0xFFFFFFFF  }
0xab: {  	s26 =	simm.s32 $execute0_lowered;
	[smem:$0x3FD2] =	sst s25  }
0xac: {  	s6 =	sshll.u32 s26, $0x1;
	_ =	strace $0x80000046;
	[dreg:$0x1] =	wrdreg $0xFFFFFFFF  }
0xad: {  	s28 =	simm.s32 $_size_execute0_lowered;
	s4 =	sadd.s32 s4, s6;
	[dreg:$0x0] =	wrdreg $0x0  }
0xae: {  	s6 =	sshll.u32 s28, $0x1;
	[dreg:$0x2] =	wrdreg s4  }
0xaf: {  	[dreg:$0x3] =	wrdreg s6  }
0xb0: {  	[dreg:$0x4] =	wrdreg $0xC0  }
0xb1: {  	_ =	task [dreg:s8], $0x5FFFF  }
0xb2: {  	[dreg:$0x1] =	wrdreg $0xFFFFFFFF  }
0xb3: {  	[dreg:$0x0] =	wrdreg $0x60  }
0xb4: {  	[dreg:$0x2] =	wrdreg s24  }
0xb5: {  	[dreg:$0x3] =	wrdreg s16  }
0xb6: {  	[dreg:$0x4] =	wrdreg s17  }
0xb7: {  	[dreg:$0x5] =	wrdreg $0x9  }
0xb8: {  	_ =	task.clear_ibuf [dreg:s8], $0x6FFFF;
	_ =	strace $0x90000046  }
0xb9: {  	s29 =	simm.s32 $0x9;
	_ =	strace $0x80000048  }
0xba: {  	_ =	swait.ge [sflag:s29], $0x1  }
0xbb: {  	[sflag:s29] =	ssyncadd.s32 $0xFFFFFFFF  }
0xbc: {  	_ =	strace $0x90000048  }
0xbd: {  	_ =	sfence  }
0xbe: {  	s30 =	sld [smem:$0x0];
	_ =	sdelay $0x2  }
0xbf: {  	s31 =	sshll.u32 s1, $0xD;
	s1 =	sshrl.u32 s1, $0x2  }
0xc0: {  	s3 =	sand.u32 $0x4000, s31;
	s1 =	sadd.s32 s1, s30  }
0xc1: {  	s0 =	sor.u32 s3, s0;
	s1 =	sshll.u32 s1, $0x11  }
0xc2: {  	s0 =	sor.u32 s1, s0  }
0xc3: {  	s0 =	sadd.s32 $0x8F2B, s0  }
0xc4: {  	[sflag:s0] =	ssyncadd.remote.s32 $0x1  }
0xc5: {  	_ =	sfence.sel $0xFFFF  }
0xc6: {  	[dreg:$0x0] =	wrdreg $0xFFFFFFFF;
	(pc) =	sbr.abs _section_cstart, $3  }
0xc7: {  	[dreg:$0x1] =	wrdreg $0xFFFFFFFF  }
0xc8: {  	_ =	task.clear_ibuf [dreg:s8], $0x2FFFF;
	_ =	strace $0x9FFFFFFF  }
0xc9: {  	(tm) =	ssettm $0x7FFFFFFF  }
tec
execute0_lowered:
.L_overlay_start_1:
0x0: {  	(tag) =	ssettag $0x1  }
0x1: {  	s1 =	srdreg.scid;
	s0 =	stileid.u32  }
0x2: {  	s8 =	rddreg [dreg:$0x0];
	s21 =	sand.u32 $0x1, s1;
	s31 =	sshll.u32 s0, $0x1  }
0x3: {  	s17 =	rddreg [dreg:$0x1];
	s13 =	sor.u32 s21, s31  }
0x4: {  	s19 =	rddreg [dreg:$0x2];
	s2 =	simm.s32 $0x0;
	s3 =	sshll.u32 s13, $0x5  }
0x5: {  	s4 =	simm.s32 $0x6;
	[smem:$0x7FF] =	sst s2;
	s3 =	sadd.s32 s3, s8  }
0x6: {  	s1 =	rddreg [dreg:$0x3];
	_ =	strace $0x80000047;
	s3 =	sadd.s32 $0xC00, s3  }
0x7: {  	[tilespmem:s2], [sflag:$0x6] =	stream.linear.gather [hbm4b:s3+s2], $0x100, $0x38;
	[tilespmem:$0x8100] =	vst v63  }
0x8: {  	_ =	swait.ge [sflag:s4], $0x100  }
0x9: {  	s6 =	simm.s32 $0x80;
	[sflag:s4] =	ssyncset.done $0x0  }
0xa: {  	s7 =	simm.s32 $0x100;
	s5 =	sadd.s32 $0x1000, s8;
	[sflag:s4] =	ssyncadd.s32 $0xFFFFFF00  }
0xb: {  	[tilespmem:s7], [sflag:$0x1] =	stream.indirect.gather [hbm4b:s5+s6], $0x40, s2, s6, $0xb8;
	[tilespmem:$0x8100] =	vst v63  }
0xc: {  	s9 =	simm.s32 $0x4100;
	s8 =	sadd.s32 $0x9000, s8  }
0xd: {  	[tilespmem:s9], [sflag:$0x2] =	stream.indirect.gather [hbm4b:s8+s6], $0x40, s2, s6, $0xb8;
	[tilespmem:$0x8100] =	vst v63  }
0xe: {  	s10 =	simm.s32 $0x2100  }
0xf: {  	[tilespmem:s10], [sflag:$0x3] =	stream.indirect.gather [hbm4b:s5+s6], $0x40, s6, s6, $0xb8;
	[tilespmem:$0x8100] =	vst v63  }
0x10: {  	s11 =	simm.s32 $0x6100;
	s12 =	simm.s32 $0x1  }
0x11: {  	[tilespmem:s11], [sflag:$0x4] =	stream.indirect.gather [hbm4b:s8+s6], $0x40, s6, s6, $0xb8;
	[tilespmem:$0x8100] =	vst v63  }
0x12: {  	_ =	swait.ge [sflag:s12], $0x2000  }
0x13: {  	s18 =	sshll.u32 s13, $0xB;
	[sflag:s12] =	ssyncset.done $0x0  }
0x14: {  	s14 =	simm.s32 $0x2;
	s13 =	sadd.s32 s17, s18;
	[sflag:s12] =	ssyncadd.s32 $0xFFFFE000  }
0x15: {  	[hbm4b:s13+s2] =	stream.linear.scatter [tilespmem:s7], [sflag:$0x5], $0x2000, $0x38;
	[tilespmem:$0x8100] =	vst v63  }
0x16: {  	_ =	swait.ge [sflag:s14], $0x2000  }
0x17: {  	[sflag:s14] =	ssyncset.done $0x0  }
0x18: {  	s16 =	simm.s32 $0x3;
	s15 =	sadd.s32 s19, s18;
	[sflag:s14] =	ssyncadd.s32 $0xFFFFE000  }
0x19: {  	[hbm4b:s15+s2] =	stream.linear.scatter [tilespmem:s9], [sflag:$0x5], $0x2000, $0x38;
	[tilespmem:$0x8100] =	vst v63  }
0x1a: {  	_ =	swait.ge [sflag:s16], $0x2000  }
0x1b: {  	s20 =	sor.u32 $0x400, s18;
	[sflag:s16] =	ssyncset.done $0x0  }
0x1c: {  	s18 =	simm.s32 $0x4;
	s17 =	sadd.s32 s17, s20;
	[sflag:s16] =	ssyncadd.s32 $0xFFFFE000  }
0x1d: {  	[hbm4b:s17+s2] =	stream.linear.scatter [tilespmem:s10], [sflag:$0x5], $0x2000, $0x38;
	[tilespmem:$0x8100] =	vst v63  }
0x1e: {  	_ =	swait.ge [sflag:s18], $0x2000  }
0x1f: {  	[sflag:s18] =	ssyncset.done $0x0  }
0x20: {  	s20 =	sadd.s32 s19, s20;
	s19 =	simm.s32 $0x5;
	[sflag:s18] =	ssyncadd.s32 $0xFFFFE000  }
0x21: {  	[hbm4b:s20+s2] =	stream.linear.scatter [tilespmem:s11], [sflag:$0x5], $0x2000, $0x38;
	[tilespmem:$0x8100] =	vst v63  }
0x22: {  	_ =	swait.ge [sflag:s19], $0x2000  }
0x23: {  	s21 =	ssub.s32 $0x2, s21;
	[sflag:s19] =	ssyncset.done $0x0  }
0x24: {  	s22 =	sshrl.u32 s21, $0x1;
	[sflag:s19] =	ssyncadd.s32 $0xFFFFE000  }
0x25: {  	s21 =	ssub.s32 s21, s22;
	_ =	swait.ge [sflag:s19], $0x2000  }
0x26: {  	s21 =	smax.u32 s21, $0x1;
	[sflag:s19] =	ssyncset.done $0x0  }
0x27: {  	p0 =	sne.s32 s21, $0x1;
	[sflag:s19] =	ssyncadd.s32 $0xFFFFE000  }
.Ltmp0:
0x28: {  	_ =	swait.ge [sflag:s19], $0x2000;
	(pc) =	sbr.rel @!p0 .LBB2_2-.Ltmp0, $4  }
0x29: {  	[sflag:s19] =	ssyncset.done $0x0  }
0x2a: {  	[sflag:s19] =	ssyncadd.s32 $0xFFFFE000  }
0x2b: {  	_ =	swait.ge [sflag:s19], $0x2000  }
0x2c: {  	s21 =	sadd.s32 $0xFFFFFFFF, s21;
	[sflag:s19] =	ssyncset.done $0x0  }
.LBB2_1:
0x2d: {  	p0 =	sne.s32 s21, $0x1;
	s21 =	sadd.s32 $0xFFFFFFFF, s21;
	[sflag:s19] =	ssyncadd.s32 $0xFFFFE000  }
0x2e: {  	[tilespmem:s2], [sflag:$0x6] =	stream.linear.gather [hbm4b:s3+s2], $0x100, $0x38;
	[tilespmem:$0x8100] =	vst v63  }
0x2f: {  	_ =	swait.ge [sflag:s4], $0x100  }
0x30: {  	[sflag:s4] =	ssyncset.done $0x0  }
0x31: {  	[sflag:s4] =	ssyncadd.s32 $0xFFFFFF00  }
0x32: {  	[tilespmem:s7], [sflag:$0x1] =	stream.indirect.gather [hbm4b:s5+s6], $0x40, s2, s6, $0xb8;
	[tilespmem:$0x8100] =	vst v63  }
0x33: {  	_ = 	snop  }
0x34: {  	[tilespmem:s9], [sflag:$0x2] =	stream.indirect.gather [hbm4b:s8+s6], $0x40, s2, s6, $0xb8;
	[tilespmem:$0x8100] =	vst v63  }
0x35: {  	_ = 	snop  }
0x36: {  	[tilespmem:s10], [sflag:$0x3] =	stream.indirect.gather [hbm4b:s5+s6], $0x40, s6, s6, $0xb8;
	[tilespmem:$0x8100] =	vst v63  }
0x37: {  	_ = 	snop  }
0x38: {  	[tilespmem:s11], [sflag:$0x4] =	stream.indirect.gather [hbm4b:s8+s6], $0x40, s6, s6, $0xb8;
	[tilespmem:$0x8100] =	vst v63  }
0x39: {  	_ =	swait.ge [sflag:s12], $0x2000  }
0x3a: {  	[sflag:s12] =	ssyncset.done $0x0  }
0x3b: {  	[sflag:s12] =	ssyncadd.s32 $0xFFFFE000  }
0x3c: {  	[hbm4b:s13+s2] =	stream.linear.scatter [tilespmem:s7], [sflag:$0x5], $0x2000, $0x38;
	[tilespmem:$0x8100] =	vst v63  }
0x3d: {  	_ =	swait.ge [sflag:s14], $0x2000  }
0x3e: {  	[sflag:s14] =	ssyncset.done $0x0  }
0x3f: {  	[sflag:s14] =	ssyncadd.s32 $0xFFFFE000  }
0x40: {  	[hbm4b:s15+s2] =	stream.linear.scatter [tilespmem:s9], [sflag:$0x5], $0x2000, $0x38;
	[tilespmem:$0x8100] =	vst v63  }
0x41: {  	_ =	swait.ge [sflag:s16], $0x2000  }
0x42: {  	[sflag:s16] =	ssyncset.done $0x0  }
0x43: {  	[sflag:s16] =	ssyncadd.s32 $0xFFFFE000  }
0x44: {  	[hbm4b:s17+s2] =	stream.linear.scatter [tilespmem:s10], [sflag:$0x5], $0x2000, $0x38;
	[tilespmem:$0x8100] =	vst v63  }
0x45: {  	_ =	swait.ge [sflag:s18], $0x2000  }
0x46: {  	[sflag:s18] =	ssyncset.done $0x0  }
0x47: {  	[sflag:s18] =	ssyncadd.s32 $0xFFFFE000  }
0x48: {  	[hbm4b:s20+s2] =	stream.linear.scatter [tilespmem:s11], [sflag:$0x5], $0x2000, $0x38;
	[tilespmem:$0x8100] =	vst v63  }
0x49: {  	_ =	swait.ge [sflag:s19], $0x2000  }
0x4a: {  	[sflag:s19] =	ssyncset.done $0x0  }
0x4b: {  	[sflag:s19] =	ssyncadd.s32 $0xFFFFE000  }
0x4c: {  	_ =	swait.ge [sflag:s19], $0x2000  }
0x4d: {  	[sflag:s19] =	ssyncset.done $0x0  }
0x4e: {  	[sflag:s19] =	ssyncadd.s32 $0xFFFFE000  }
.Ltmp1:
0x4f: {  	_ =	swait.ge [sflag:s19], $0x2000;
	(pc) =	sbr.rel @p0 .LBB2_1-.Ltmp1, $4  }
0x50: {  	[sflag:s19] =	ssyncset.done $0x0  }
0x51: {  	[sflag:s19] =	ssyncadd.s32 $0xFFFFE000  }
0x52: {  	_ =	swait.ge [sflag:s19], $0x2000  }
0x53: {  	[sflag:s19] =	ssyncset.done $0x0  }
.LBB2_2:
0x54: {  	[sflag:s19] =	ssyncadd.s32 $0xFFFFE000  }
0x55: {  	_ =	sfence.sel $0x180000  }
0x56: {  	[bflag:$0x0] =	sbarrier.arrive $0xFFFF  }
0x57: {  	p0 =	sne.s32 s0, $0x0;
	_ =	strace $0x90000047  }
0x58: {  	s0 =	sadd.s32 @!p0 $0x100000, s1;
	[bflag:$0x2] =	sbarrier.arrive $0xFFFF  }
0x59: {  	[sflag:s0] =	ssyncadd.tile.s32 @!p0 $0x1;
	_ =	shalt  }
.Lfunc_end2:
_tile_overlayer_lowered:
.L_overlay_start_2:
0x5a: {  	(tag) =	ssettag $0x2  }
0x5b: {  	s0 =	rddreg [dreg:$0x0];
	s2 =	stileid.u32  }
0x5c: {  	s1 =	rddreg [dreg:$0x1];
	p0 =	sne.s32 s2, $0x0  }
0x5d: {  	s3 =	rddreg [dreg:$0x2];
	[bflag:$0x3] =	sbarrier.arrive $0xFFFF;
	s2 =	simm.s32 @!p0 $0x1C06  }
0x5e: {  	[timem:s3], [sflag:s2] =	dma.local @!p0 [hbm:s0], s1  }
0x5f: {  	s0 =	simm.s32 @!p0 $0x6  }
0x60: {  	_ =	swait.ge @!p0 [sflag:s0], s1  }
0x61: {  	s1 =	ssub.s32 @!p0 $0x0, s1;
	[sflag:s0] =	ssyncset.done @!p0 $0x0  }
0x62: {  	[sflag:s0] =	ssyncadd.s32 @!p0 s1  }
0x63: {  	[bflag:$0x3] =	sbarrier.arrive $0xFFFF  }
0x64: {  	_ =	shalt  }

</sc_bundles>
